<compile_context>
chip_gen: v7x
topology: tpu7x:2x2x1
jax: 0.10.2.dev20260603
libtpu: 0.0.44.dev20260713+nightly
codegen_flags: <defaults>
</compile_context>

<pallas_src>
import jax
import jax.numpy as jnp
from jax.experimental import pallas as pl
from jax.experimental.pallas import tpu as pltpu
from jax.experimental.pallas import tpu_sc as plsc
import functools
from jax import lax

_EMBED = 256
_CODES = 1024
_BATCH = 16
_TOKENS = 1024
_N = _BATCH * _TOKENS
_BLK = 2048
_NBLK = _N // _BLK
_COMMIT = 0.25
_WCOLS = _EMBED + 128


def _norms_kernel(emb_ref, e2_ref):
    e = emb_ref[...]
    e2_ref[...] = jnp.sum(e * e, axis=1).reshape(1, _CODES)


def _vq_kernel(x_ref, waug_ref, embt2_ref, e2_ref,
               enc_ref, quant_ref, idx_ref, lacc_ref):
    x = x_ref[...]
    x2 = jnp.sum(x * x, axis=1, keepdims=True)
    mm2 = jax.lax.dot_general(x, embt2_ref[...],
                              (((1,), (0,)), ((), ())),
                              preferred_element_type=jnp.float32)
    d = (x2 + e2_ref[...]) + mm2
    dmin = jnp.min(d, axis=1, keepdims=True)
    iotaf = jax.lax.broadcasted_iota(
        jnp.int32, (_BLK, _CODES), 1).astype(jnp.float32)
    idxv = jnp.where(d == dmin, iotaf, jnp.float32(_CODES))
    im = jnp.min(idxv, axis=1, keepdims=True)
    onehot = (idxv == im).astype(jnp.float32)
    enc_ref[...] = onehot

    qa = jax.lax.dot_general(onehot, waug_ref[...],
                             (((1,), (0,)), ((), ())),
                             preferred_element_type=jnp.float32)
    quant = qa[:, :_EMBED]
    quant_ref[...] = quant
    idx_slab = jnp.transpose(qa[:, _EMBED:_EMBED + 8])
    idx_f = idx_slab[0:1, :] + idx_slab[1:2, :]
    idx_ref[...] = idx_f.astype(jnp.int32).reshape(1, 1, _BLK)

    diff = quant - x
    lacc_ref[...] = jnp.broadcast_to(
        jnp.sum(diff * diff).reshape(1, 1, 1), (1, 1, 128))



_SC_NC = 2
_SC_NS = 16
_SC_W = _SC_NC * _SC_NS
_SC_CHUNK = _N // _SC_W


def _sc_hist_kernel(idx_hbm, zeros_hbm, ones_hbm, out_hbm,
                    idx_v, ones_v, shared):
    cid = lax.axis_index("c")
    sid = lax.axis_index("s")
    wid = sid * _SC_NC + cid
    base = wid * _SC_CHUNK

    @pl.when(sid == 0)
    def _init():
        pltpu.sync_copy(zeros_hbm, shared)

    plsc.subcore_barrier()
    pltpu.sync_copy(idx_hbm.at[pl.ds(base, _SC_CHUNK)], idx_v)
    pltpu.sync_copy(ones_hbm, ones_v)
    pltpu.sync_copy(ones_v, shared.at[idx_v], add=True)
    plsc.subcore_barrier()

    @pl.when(sid == 0)
    def _out():
        pltpu.sync_copy(shared, out_hbm.at[pl.ds(cid * _CODES, _CODES)])


def _sc_hist(idx_flat, zeros, ones):
    mesh = plsc.VectorSubcoreMesh(core_axis_name="c", subcore_axis_name="s")
    return functools.partial(
        pl.kernel, mesh=mesh,
        out_type=jax.ShapeDtypeStruct((_SC_NC * _CODES,), jnp.float32),
        scratch_types=[
            pltpu.VMEM((_SC_CHUNK,), jnp.int32),
            pltpu.VMEM((_SC_CHUNK,), jnp.float32),
            pltpu.VMEM_SHARED((_CODES,), jnp.float32),
        ],
    )(_sc_hist_kernel)(idx_flat, zeros, ones)


def _finish_kernel(counts_ref, lacc_ref, loss_ref, perp_ref):
    total = jnp.sum(lacc_ref[...], axis=0)[0, 0]
    loss_ref[...] = (total * ((1.0 + _COMMIT) / (_N * _EMBED))).reshape(1, 1)
    p = jnp.sum(counts_ref[...], axis=0).reshape(1, _CODES) * (1.0 / _N)
    perp_ref[...] = jnp.exp(-jnp.sum(p * jnp.log(p + 1e-10))).reshape(1, 1)


def kernel(inputs, emb_w):
    input_shape = inputs.shape
    flat = inputs.reshape(_N, _EMBED)
    embt2 = -2.0 * emb_w.T
    iota_col = jax.lax.broadcasted_iota(jnp.int32, (_CODES, 1), 0)
    idx_hi = ((iota_col >> 7) << 7).astype(jnp.float32)
    idx_lo = (iota_col & 127).astype(jnp.float32)
    waug = jnp.concatenate(
        [emb_w, idx_hi, idx_lo,
         jnp.zeros((_CODES, _WCOLS - _EMBED - 2), jnp.float32)],
        axis=1)

    e2 = pl.pallas_call(
        _norms_kernel,
        out_shape=jax.ShapeDtypeStruct((1, _CODES), jnp.float32),
    )(emb_w)

    enc, quant, idx3, lacc = pl.pallas_call(
        _vq_kernel,
        grid=(_NBLK,),
        in_specs=[
            pl.BlockSpec((_BLK, _EMBED), lambda i: (i, 0)),
            pl.BlockSpec((_CODES, _WCOLS), lambda i: (0, 0)),
            pl.BlockSpec((_EMBED, _CODES), lambda i: (0, 0)),
            pl.BlockSpec((1, _CODES), lambda i: (0, 0)),
        ],
        out_specs=[
            pl.BlockSpec((_BLK, _CODES), lambda i: (i, 0)),
            pl.BlockSpec((_BLK, _EMBED), lambda i: (i, 0)),
            pl.BlockSpec((1, 1, _BLK), lambda i: (i, 0, 0)),
            pl.BlockSpec((1, 1, 128), lambda i: (i, 0, 0)),
        ],
        out_shape=[
            jax.ShapeDtypeStruct((_N, _CODES), jnp.float32),
            jax.ShapeDtypeStruct((_N, _EMBED), jnp.float32),
            jax.ShapeDtypeStruct((_NBLK, 1, _BLK), jnp.int32),
            jax.ShapeDtypeStruct((_NBLK, 1, 128), jnp.float32),
        ],
        compiler_params=pltpu.CompilerParams(
            dimension_semantics=("parallel",)),
    )(flat, waug, embt2, e2)

    idx_flat = idx3.reshape(_N)
    counts = _sc_hist(idx_flat,
                      jnp.zeros((_CODES,), jnp.float32),
                      jnp.ones((_SC_CHUNK,), jnp.float32)).reshape(_SC_NC, _CODES)

    loss, perp = pl.pallas_call(
        _finish_kernel,
        out_shape=[
            jax.ShapeDtypeStruct((1, 1), jnp.float32),
            jax.ShapeDtypeStruct((1, 1), jnp.float32),
        ],
    )(counts, lacc)

    vq_loss = loss.reshape(())
    quantized_st = quant.reshape(input_shape)
    perplexity = perp.reshape(())
    original_indices = idx_flat
    return (vq_loss, quantized_st, perplexity, enc, original_indices)

# --- scband reference (transcript-rebuilt; emitter-appended) ---
"""Pipeline reference for scband-optimized-adaptive-vqvae-20315195310708 (READ-ONLY COPY).

The authoritative reference and input builder live on the scoring server;
editing this copy changes nothing except your own understanding.
"""

import jax, jax.numpy as jnp
import numpy as np

EMBED_DIM = 256
NUM_CODES = 1024
COMMITMENT_COST = 0.25
BATCH = 16
TOKENS = 1024


def setup_inputs(seed: int = 0) -> dict:
    key = jax.random.key(seed)
    k1, k2 = jax.random.split(key)
    inputs = jax.random.normal(k1, (BATCH, TOKENS, EMBED_DIM), dtype=jnp.float32)
    # learned codebook (would normally come from kmeans init in initialize_from_data)
    emb_w = jax.random.normal(k2, (NUM_CODES, EMBED_DIM), dtype=jnp.float32) * 0.5
    return {"inputs": inputs, "emb_w": emb_w}


def reference(inputs, emb_w):
    input_shape = inputs.shape
    flat_input = inputs.reshape(-1, EMBED_DIM)
    # _active_mask is all-ones at init time, so active_indices == arange(NUM_CODES)
    # and active_embeddings == emb_w (faithful to the eval-mode forward path).
    distances = (
        jnp.sum(flat_input ** 2, axis=1, keepdims=True)
        + jnp.sum(emb_w ** 2, axis=1)
        - 2.0 * jnp.matmul(flat_input, emb_w.T)
    )
    encoding_indices = jnp.argmin(distances, axis=1)
    original_indices = encoding_indices  # active_indices[idx] == idx when mask is all ones
    encodings = jax.nn.one_hot(original_indices, NUM_CODES, dtype=jnp.float32)
    quantized = jnp.matmul(encodings, emb_w).reshape(input_shape)
    e_latent_loss = jnp.mean((jax.lax.stop_gradient(quantized) - inputs) ** 2)
    q_latent_loss = jnp.mean((quantized - jax.lax.stop_gradient(inputs)) ** 2)
    vq_loss = q_latent_loss + COMMITMENT_COST * e_latent_loss
    # straight-through estimator
    quantized_st = inputs + jax.lax.stop_gradient(quantized - inputs)
    avg_probs = jnp.mean(encodings, axis=0)
    perplexity = jnp.exp(-jnp.sum(avg_probs * jnp.log(avg_probs + 1e-10)))
    return (vq_loss, quantized_st, perplexity, encodings, original_indices)

if __name__ == "__main__":
    import jax
    _d = setup_inputs()
    print(jax.jit(kernel)(*tuple(_d.values())))

</pallas_src>

<mosaic_0001>
#map = affine_map<(d0, d1) -> (0)>
module attributes {stable_mosaic.version = 14 : i64} {
  func.func @_sc_hist_kernel(%arg0: i32, %arg1: i32, %arg2: memref<16384xi32, #tpu.memory_space<hbm>>, %arg3: memref<1024xf32, #tpu.memory_space<hbm>>, %arg4: memref<512xf32, #tpu.memory_space<hbm>>, %arg5: memref<2048xf32, #tpu.memory_space<hbm>>, %arg6: memref<512xi32, #tpu.memory_space<vmem>>, %arg7: memref<512xf32, #tpu.memory_space<vmem>>, %arg8: memref<1024xf32, #tpu.memory_space<vmem_shared>>) attributes {dimension_semantics = [#tpu.dimension_semantics<core_parallel>, #tpu.dimension_semantics<subcore_parallel>], iteration_bounds = array<i64: 2, 16>, scalar_prefetch = 0 : i64, scratch_operands = 3 : i64, tpu.core_type = #tpu.core_type<sc_vector_subcore>, window_params = [{transform_indices = #map}, {transform_indices = #map}, {transform_indices = #map}, {transform_indices = #map}]} {
    %mul3A = arith.constant 2 : i32
    %mul3A_0 = arith.muli %arg1, %mul3A : i32
    %add3A = arith.addi %mul3A_0, %arg0 : i32
    %mul3A_1 = arith.constant 512 : i32
    %mul3A_2 = arith.muli %add3A, %mul3A_1 : i32
    %eq3A = arith.constant 0 : i32
    %eq3A_3 = arith.cmpi eq, %arg1, %eq3A : i32
    %convert_element_type3A = arith.extui %eq3A_3 : i1 to i32
    %cond3A = arith.constant 0 : i32
    %cond3A_4 = arith.cmpi ne, %convert_element_type3A, %cond3A : i32
    scf.if %cond3A_4 {
      "tpu.region"() ({
        %run_scoped3A = tpu.sem_alloc : memref<!tpu.dma_semaphore, #tpu.memory_space<semaphore_mem>>
        tpu.enqueue_dma source(%arg3 : memref<1024xf32, #tpu.memory_space<hbm>>) target(%arg8 : memref<1024xf32, #tpu.memory_space<vmem_shared>>) target_semaphore(%run_scoped3A : memref<!tpu.dma_semaphore, #tpu.memory_space<semaphore_mem>>)
        tpu.wait_dma2 semaphore(%run_scoped3A : memref<!tpu.dma_semaphore, #tpu.memory_space<semaphore_mem>>) src(%arg3 : memref<1024xf32, #tpu.memory_space<hbm>>) dst(%arg8 : memref<1024xf32, #tpu.memory_space<vmem_shared>>)
        tpu.yield
      }) : () -> ()
    } else {
    }
    %barrier3A = arith.constant 0 : index
    tpu.barrier barrier_id(%barrier3A)
    "tpu.region"() ({
      %run_scoped3A = tpu.sem_alloc : memref<!tpu.dma_semaphore, #tpu.memory_space<semaphore_mem>>
      %dma_start3A = tpu.memref_slice %arg2[%mul3A_2] : memref<16384xi32, #tpu.memory_space<hbm>> -> memref<512xi32, #tpu.memory_space<hbm>>
      %dma_start3A_11 = tpu.memref_slice %arg2[%mul3A_2] : memref<16384xi32, #tpu.memory_space<hbm>> -> memref<512xi32, #tpu.memory_space<hbm>>
      tpu.enqueue_dma source(%dma_start3A_11 : memref<512xi32, #tpu.memory_space<hbm>>) target(%arg6 : memref<512xi32, #tpu.memory_space<vmem>>) target_semaphore(%run_scoped3A : memref<!tpu.dma_semaphore, #tpu.memory_space<semaphore_mem>>)
      %dma_wait3A = tpu.memref_slice %arg2[%mul3A_2] : memref<16384xi32, #tpu.memory_space<hbm>> -> memref<512xi32, #tpu.memory_space<hbm>>
      %dma_wait3A_12 = tpu.memref_slice %arg2[%mul3A_2] : memref<16384xi32, #tpu.memory_space<hbm>> -> memref<512xi32, #tpu.memory_space<hbm>>
      tpu.wait_dma2 semaphore(%run_scoped3A : memref<!tpu.dma_semaphore, #tpu.memory_space<semaphore_mem>>) src(%dma_wait3A_12 : memref<512xi32, #tpu.memory_space<hbm>>) dst(%arg6 : memref<512xi32, #tpu.memory_space<vmem>>)
      tpu.yield
    }) : () -> ()
    "tpu.region"() ({
      %run_scoped3A = tpu.sem_alloc : memref<!tpu.dma_semaphore, #tpu.memory_space<semaphore_mem>>
      tpu.enqueue_dma source(%arg4 : memref<512xf32, #tpu.memory_space<hbm>>) target(%arg7 : memref<512xf32, #tpu.memory_space<vmem>>) target_semaphore(%run_scoped3A : memref<!tpu.dma_semaphore, #tpu.memory_space<semaphore_mem>>)
      tpu.wait_dma2 semaphore(%run_scoped3A : memref<!tpu.dma_semaphore, #tpu.memory_space<semaphore_mem>>) src(%arg4 : memref<512xf32, #tpu.memory_space<hbm>>) dst(%arg7 : memref<512xf32, #tpu.memory_space<vmem>>)
      tpu.yield
    }) : () -> ()
    "tpu.region"() ({
      %run_scoped3A = tpu.sem_alloc : memref<!tpu.dma_semaphore, #tpu.memory_space<semaphore_mem>>
      %dma_start3A = arith.constant 0 : i32
      %dma_start3A_11 = tpu.memref_slice %arg8[%dma_start3A] : memref<1024xf32, #tpu.memory_space<vmem_shared>> -> memref<1024xf32, #tpu.memory_space<vmem_shared>>
      tpu.enqueue_indirect_dma source(%arg7 : memref<512xf32, #tpu.memory_space<vmem>>) target(%dma_start3A_11 : memref<1024xf32, #tpu.memory_space<vmem_shared>>) offsets(%arg6 : memref<512xi32, #tpu.memory_space<vmem>>) semaphore(%run_scoped3A : memref<!tpu.dma_semaphore, #tpu.memory_space<semaphore_mem>>) {add = true}
      %dma_wait3A = arith.constant 0 : i32
      %dma_wait3A_12 = tpu.memref_slice %arg8[%dma_wait3A] : memref<1024xf32, #tpu.memory_space<vmem_shared>> -> memref<1024xf32, #tpu.memory_space<vmem_shared>>
      tpu.wait_indirect_dma semaphore(%run_scoped3A : memref<!tpu.dma_semaphore, #tpu.memory_space<semaphore_mem>>) src(%arg7 : memref<512xf32, #tpu.memory_space<vmem>>) dst(%dma_wait3A_12 : memref<1024xf32, #tpu.memory_space<vmem_shared>>)
      tpu.yield
    }) : () -> ()
    %barrier3A_5 = arith.constant 0 : index
    tpu.barrier barrier_id(%barrier3A_5)
    %eq3A_6 = arith.constant 0 : i32
    %eq3A_7 = arith.cmpi eq, %arg1, %eq3A_6 : i32
    %convert_element_type3A_8 = arith.extui %eq3A_7 : i1 to i32
    %cond3A_9 = arith.constant 0 : i32
    %cond3A_10 = arith.cmpi ne, %convert_element_type3A_8, %cond3A_9 : i32
    scf.if %cond3A_10 {
      %mul3A_11 = arith.constant 1024 : i32
      %mul3A_12 = arith.muli %arg0, %mul3A_11 : i32
      "tpu.region"() ({
        %run_scoped3A = tpu.sem_alloc : memref<!tpu.dma_semaphore, #tpu.memory_space<semaphore_mem>>
        %dma_start3A = tpu.memref_slice %arg5[%mul3A_12] : memref<2048xf32, #tpu.memory_space<hbm>> -> memref<1024xf32, #tpu.memory_space<hbm>>
        tpu.enqueue_dma source(%arg8 : memref<1024xf32, #tpu.memory_space<vmem_shared>>) target(%dma_start3A : memref<1024xf32, #tpu.memory_space<hbm>>) target_semaphore(%run_scoped3A : memref<!tpu.dma_semaphore, #tpu.memory_space<semaphore_mem>>)
        %dma_wait3A = tpu.memref_slice %arg5[%mul3A_12] : memref<2048xf32, #tpu.memory_space<hbm>> -> memref<1024xf32, #tpu.memory_space<hbm>>
        tpu.wait_dma2 semaphore(%run_scoped3A : memref<!tpu.dma_semaphore, #tpu.memory_space<semaphore_mem>>) src(%arg8 : memref<1024xf32, #tpu.memory_space<vmem_shared>>) dst(%dma_wait3A : memref<1024xf32, #tpu.memory_space<hbm>>)
        tpu.yield
      }) : () -> ()
    } else {
    }
    return
  }
}

module attributes {stable_mosaic.version = 14 : i64} {
  func.func @_norms_kernel(%arg0: memref<1024x256xf32, #tpu.memory_space<vmem>>, %arg1: memref<1x1024xf32, #tpu.memory_space<vmem>>) attributes {dimension_semantics = [], scalar_prefetch = 0 : i64, scratch_operands = 0 : i64, tpu.core_type = #tpu.core_type<tc>} {
    %get3A = arith.constant 0 : index
    %get3A_0 = arith.constant 0 : index
    %get3A_1 = vector.load %arg0[%get3A, %get3A_0] : memref<1024x256xf32, #tpu.memory_space<vmem>>, vector<1024x256xf32>
    %mul3A = arith.mulf %get3A_1, %get3A_1 : vector<1024x256xf32>
    %reduce_sum3A = arith.constant dense<0.000000e+00> : vector<1024xf32>
    %reduce_sum3A_2 = vector.multi_reduction <add>, %mul3A, %reduce_sum3A [1] : vector<1024x256xf32> to vector<1024xf32>
    %reshape3A = vector.shape_cast %reduce_sum3A_2 : vector<1024xf32> to vector<1x1024xf32>
    %swap3A = arith.constant 0 : index
    %swap3A_3 = arith.constant 0 : index
    %swap3A_4 = vector.load %arg1[%swap3A, %swap3A_3] : memref<1x1024xf32, #tpu.memory_space<vmem>>, vector<1x1024xf32>
    tpu.vector_store %arg1[%swap3A, %swap3A_3], %reshape3A {strides = array<i32>} : memref<1x1024xf32, #tpu.memory_space<vmem>>, vector<1x1024xf32>,
    return
  }
}

module attributes {stable_mosaic.version = 14 : i64} {
  func.func @_vq_kernel(%arg0: i32, %arg1: memref<2048x256xf32, #tpu.memory_space<vmem>>, %arg2: memref<1024x384xf32, #tpu.memory_space<vmem>>, %arg3: memref<256x1024xf32, #tpu.memory_space<vmem>>, %arg4: memref<1x1024xf32, #tpu.memory_space<vmem>>, %arg5: memref<2048x1024xf32, #tpu.memory_space<vmem>>, %arg6: memref<2048x256xf32, #tpu.memory_space<vmem>>, %arg7: memref<1x1x2048xi32, #tpu.memory_space<vmem>>, %arg8: memref<1x1x128xf32, #tpu.memory_space<vmem>>) attributes {dimension_semantics = [#tpu.dimension_semantics<parallel>], iteration_bounds = array<i64: 8>, scalar_prefetch = 0 : i64, scratch_operands = 0 : i64, tpu.core_type = #tpu.core_type<tc>, window_params = [{transform_indices = @transform_0, window_bounds = array<i64: 2048, 256>}, {pipeline_mode = #tpu.pipeline_mode<synchronous>, transform_indices = @transform_1, window_bounds = array<i64: 1024, 384>}, {pipeline_mode = #tpu.pipeline_mode<synchronous>, transform_indices = @transform_2, window_bounds = array<i64: 256, 1024>}, {pipeline_mode = #tpu.pipeline_mode<synchronous>, transform_indices = @transform_3, window_bounds = array<i64: 1, 1024>}, {transform_indices = @transform_4, window_bounds = array<i64: 2048, 1024>}, {transform_indices = @transform_5, window_bounds = array<i64: 2048, 256>}, {transform_indices = @transform_6, window_bounds = array<i64: 1, 1, 2048>}, {transform_indices = @transform_7, window_bounds = array<i64: 1, 1, 128>}]} {
    %get3A = arith.constant 0 : index
    %get3A_0 = arith.constant 0 : index
    %get3A_1 = vector.load %arg1[%get3A, %get3A_0] : memref<2048x256xf32, #tpu.memory_space<vmem>>, vector<2048x256xf32>
    %mul3A = arith.mulf %get3A_1, %get3A_1 : vector<2048x256xf32>
    %reduce_sum3A = arith.constant dense<0.000000e+00> : vector<2048xf32>
    %reduce_sum3A_2 = vector.multi_reduction <add>, %mul3A, %reduce_sum3A [1] : vector<2048x256xf32> to vector<2048xf32>
    %broadcast_in_dim3A = vector.shape_cast %reduce_sum3A_2 : vector<2048xf32> to vector<2048x1xf32>
    %get3A_3 = arith.constant 0 : index
    %get3A_4 = arith.constant 0 : index
    %get3A_5 = vector.load %arg3[%get3A_3, %get3A_4] : memref<256x1024xf32, #tpu.memory_space<vmem>>, vector<256x1024xf32>
    %dot_general3A = arith.constant dense<0.000000e+00> : vector<2048x1024xf32>
    %dot_general3A_6 = tpu.matmul %get3A_1, %get3A_5, %dot_general3A {dimension_numbers = #tpu.dot_dimension_numbers<[1], [0], [0], [1], [0, 0, 1, 1], [], []>, transpose_lhs_hint = false} : vector<2048x256xf32>, vector<256x1024xf32>, vector<2048x1024xf32> -> vector<2048x1024xf32>
    %get3A_7 = arith.constant 0 : index
    %get3A_8 = arith.constant 0 : index
    %get3A_9 = vector.load %arg4[%get3A_7, %get3A_8] : memref<1x1024xf32, #tpu.memory_space<vmem>>, vector<1x1024xf32>
    %add3A = vector.broadcast %broadcast_in_dim3A : vector<2048x1xf32> to vector<2048x1024xf32>
    %add3A_10 = vector.broadcast %get3A_9 : vector<1x1024xf32> to vector<2048x1024xf32>
    %add3A_11 = arith.addf %add3A, %add3A_10 : vector<2048x1024xf32>
    %add3A_12 = arith.addf %add3A_11, %dot_general3A_6 : vector<2048x1024xf32>
    %reduce_min3A = arith.constant dense<0x7F800000> : vector<2048xf32>
    %reduce_min3A_13 = vector.multi_reduction <minimumf>, %add3A_12, %reduce_min3A [1] : vector<2048x1024xf32> to vector<2048xf32>
    %broadcast_in_dim3A_14 = vector.shape_cast %reduce_min3A_13 : vector<2048xf32> to vector<2048x1xf32>
    %iota3A = tpu.iota {dimensions = array<i32: 1>} : vector<2048x1024xi32>
    %convert_element_type3A = arith.sitofp %iota3A : vector<2048x1024xi32> to vector<2048x1024xf32>
    %eq3A = vector.broadcast %broadcast_in_dim3A_14 : vector<2048x1xf32> to vector<2048x1024xf32>
    %eq3A_15 = arith.cmpf oeq, %add3A_12, %eq3A : vector<2048x1024xf32>
    %jit3A = arith.constant 1.024000e+03 : f32
    %broadcast_in_dim3A_16 = vector.broadcast %jit3A : f32 to vector<2048x1024xf32>
    %select_n3A = arith.select %eq3A_15, %convert_element_type3A, %broadcast_in_dim3A_16 : vector<2048x1024xi1>, vector<2048x1024xf32>
    %reduce_min3A_17 = arith.constant dense<0x7F800000> : vector<2048xf32>
    %reduce_min3A_18 = vector.multi_reduction <minimumf>, %select_n3A, %reduce_min3A_17 [1] : vector<2048x1024xf32> to vector<2048xf32>
    %broadcast_in_dim3A_19 = vector.shape_cast %reduce_min3A_18 : vector<2048xf32> to vector<2048x1xf32>
    %eq3A_20 = vector.broadcast %broadcast_in_dim3A_19 : vector<2048x1xf32> to vector<2048x1024xf32>
    %eq3A_21 = arith.cmpf oeq, %select_n3A, %eq3A_20 : vector<2048x1024xf32>
    %convert_element_type3A_22 = arith.extui %eq3A_21 : vector<2048x1024xi1> to vector<2048x1024xi32>
    %convert_element_type3A_23 = arith.sitofp %convert_element_type3A_22 : vector<2048x1024xi32> to vector<2048x1024xf32>
    %swap3A = arith.constant 0 : index
    %swap3A_24 = arith.constant 0 : index
    %swap3A_25 = vector.load %arg5[%swap3A, %swap3A_24] : memref<2048x1024xf32, #tpu.memory_space<vmem>>, vector<2048x1024xf32>
    tpu.vector_store %arg5[%swap3A, %swap3A_24], %convert_element_type3A_23 {strides = array<i32>} : memref<2048x1024xf32, #tpu.memory_space<vmem>>, vector<2048x1024xf32>,
    %get3A_26 = arith.constant 0 : index
    %get3A_27 = arith.constant 0 : index
    %get3A_28 = vector.load %arg2[%get3A_26, %get3A_27] : memref<1024x384xf32, #tpu.memory_space<vmem>>, vector<1024x384xf32>
    %dot_general3A_29 = arith.constant dense<0.000000e+00> : vector<2048x384xf32>
    %dot_general3A_30 = tpu.matmul %convert_element_type3A_23, %get3A_28, %dot_general3A_29 {dimension_numbers = #tpu.dot_dimension_numbers<[1], [0], [0], [1], [0, 0, 1, 1], [], []>, transpose_lhs_hint = false} : vector<2048x1024xf32>, vector<1024x384xf32>, vector<2048x384xf32> -> vector<2048x384xf32>
    %slice3A = vector.extract_strided_slice %dot_general3A_30 {offsets = [0, 0], sizes = [2048, 256], strides = [1, 1]} : vector<2048x384xf32> to vector<2048x256xf32>
    %swap3A_31 = arith.constant 0 : index
    %swap3A_32 = arith.constant 0 : index
    %swap3A_33 = vector.load %arg6[%swap3A_31, %swap3A_32] : memref<2048x256xf32, #tpu.memory_space<vmem>>, vector<2048x256xf32>
    tpu.vector_store %arg6[%swap3A_31, %swap3A_32], %slice3A {strides = array<i32>} : memref<2048x256xf32, #tpu.memory_space<vmem>>, vector<2048x256xf32>,
    %slice3A_34 = vector.extract_strided_slice %dot_general3A_30 {offsets = [0, 256], sizes = [2048, 8], strides = [1, 1]} : vector<2048x384xf32> to vector<2048x8xf32>
    %transpose3A = tpu.transpose %slice3A_34, [1, 0] : vector<2048x8xf32> -> vector<8x2048xf32>
    %slice3A_35 = vector.extract_strided_slice %transpose3A {offsets = [0, 0], sizes = [1, 2048], strides = [1, 1]} : vector<8x2048xf32> to vector<1x2048xf32>
    %slice3A_36 = vector.extract_strided_slice %transpose3A {offsets = [1, 0], sizes = [1, 2048], strides = [1, 1]} : vector<8x2048xf32> to vector<1x2048xf32>
    %add3A_37 = arith.addf %slice3A_35, %slice3A_36 : vector<1x2048xf32>
    %convert_element_type3A_38 = arith.fptosi %add3A_37 : vector<1x2048xf32> to vector<1x2048xi32>
    %reshape3A = vector.shape_cast %convert_element_type3A_38 : vector<1x2048xi32> to vector<1x1x2048xi32>
    %swap3A_39 = arith.constant 0 : index
    %swap3A_40 = arith.constant 0 : index
    %swap3A_41 = arith.constant 0 : index
    %swap3A_42 = vector.load %arg7[%swap3A_39, %swap3A_40, %swap3A_41] : memref<1x1x2048xi32, #tpu.memory_space<vmem>>, vector<1x1x2048xi32>
    tpu.vector_store %arg7[%swap3A_39, %swap3A_40, %swap3A_41], %reshape3A {strides = array<i32>} : memref<1x1x2048xi32, #tpu.memory_space<vmem>>, vector<1x1x2048xi32>,
    %sub3A = arith.subf %slice3A, %get3A_1 : vector<2048x256xf32>
    %mul3A_43 = arith.mulf %sub3A, %sub3A : vector<2048x256xf32>
    %reduce_sum3A_44 = vector.shape_cast %mul3A_43 : vector<2048x256xf32> to vector<1x2048x256xf32>
    %reduce_sum3A_45 = arith.constant dense<0.000000e+00> : vector<1xf32>
    %reduce_sum3A_46 = vector.multi_reduction <add>, %reduce_sum3A_44, %reduce_sum3A_45 [1, 2] : vector<1x2048x256xf32> to vector<1xf32>
    %reduce_sum3A_47 = vector.shape_cast %reduce_sum3A_46 : vector<1xf32> to vector<1x1x1xf32>
    %reduce_sum3A_48 = vector.extract %reduce_sum3A_47[0, 0, 0] : f32 from vector<1x1x1xf32>
    %reshape3A_49 = vector.broadcast %reduce_sum3A_48 : f32 to vector<1x1x1xf32>
    %broadcast_in_dim3A_50 = vector.shape_cast %reshape3A_49 : vector<1x1x1xf32> to vector<1x1x1xf32>
    %broadcast_in_dim3A_51 = vector.broadcast %broadcast_in_dim3A_50 : vector<1x1x1xf32> to vector<1x1x128xf32>
    %swap3A_52 = arith.constant 0 : index
    %swap3A_53 = arith.constant 0 : index
    %swap3A_54 = arith.constant 0 : index
    %swap3A_55 = vector.load %arg8[%swap3A_52, %swap3A_53, %swap3A_54] : memref<1x1x128xf32, #tpu.memory_space<vmem>>, vector<1x1x128xf32>
    tpu.vector_store %arg8[%swap3A_52, %swap3A_53, %swap3A_54], %broadcast_in_dim3A_51 {strides = array<i32>} : memref<1x1x128xf32, #tpu.memory_space<vmem>>, vector<1x1x128xf32>,
    return
  }
  func.func @transform_0(%arg0: i32) -> (i32, i32) {
    %c0_i32 = arith.constant 0 : i32
    %c0_i32_0 = arith.constant 0 : i32
    return %arg0, %c0_i32 : i32, i32
  }
  func.func @transform_1(%arg0: i32) -> (i32, i32) {
    %c0_i32 = arith.constant 0 : i32
    %c0_i32_0 = arith.constant 0 : i32
    %c0_i32_1 = arith.constant 0 : i32
    return %c0_i32, %c0_i32_0 : i32, i32
  }
  func.func @transform_2(%arg0: i32) -> (i32, i32) {
    %c0_i32 = arith.constant 0 : i32
    %c0_i32_0 = arith.constant 0 : i32
    %c0_i32_1 = arith.constant 0 : i32
    return %c0_i32, %c0_i32_0 : i32, i32
  }
  func.func @transform_3(%arg0: i32) -> (i32, i32) {
    %c0_i32 = arith.constant 0 : i32
    %c0_i32_0 = arith.constant 0 : i32
    %c0_i32_1 = arith.constant 0 : i32
    return %c0_i32, %c0_i32_0 : i32, i32
  }
  func.func @transform_4(%arg0: i32) -> (i32, i32) {
    %c0_i32 = arith.constant 0 : i32
    %c0_i32_0 = arith.constant 0 : i32
    return %arg0, %c0_i32 : i32, i32
  }
  func.func @transform_5(%arg0: i32) -> (i32, i32) {
    %c0_i32 = arith.constant 0 : i32
    %c0_i32_0 = arith.constant 0 : i32
    return %arg0, %c0_i32 : i32, i32
  }
  func.func @transform_6(%arg0: i32) -> (i32, i32, i32) {
    %c0_i32 = arith.constant 0 : i32
    %c0_i32_0 = arith.constant 0 : i32
    %c0_i32_1 = arith.constant 0 : i32
    return %arg0, %c0_i32, %c0_i32_0 : i32, i32, i32
  }
  func.func @transform_7(%arg0: i32) -> (i32, i32, i32) {
    %c0_i32 = arith.constant 0 : i32
    %c0_i32_0 = arith.constant 0 : i32
    %c0_i32_1 = arith.constant 0 : i32
    return %arg0, %c0_i32, %c0_i32_0 : i32, i32, i32
  }
}

module attributes {stable_mosaic.version = 14 : i64} {
  func.func @_finish_kernel(%arg0: memref<2x1024xf32, #tpu.memory_space<vmem>>, %arg1: memref<8x1x128xf32, #tpu.memory_space<vmem>>, %arg2: memref<1x1xf32, #tpu.memory_space<vmem>>, %arg3: memref<1x1xf32, #tpu.memory_space<vmem>>) attributes {dimension_semantics = [], scalar_prefetch = 0 : i64, scratch_operands = 0 : i64, tpu.core_type = #tpu.core_type<tc>} {
    %get3A = arith.constant 0 : index
    %get3A_0 = arith.constant 0 : index
    %get3A_1 = arith.constant 0 : index
    %get3A_2 = vector.load %arg1[%get3A, %get3A_0, %get3A_1] : memref<8x1x128xf32, #tpu.memory_space<vmem>>, vector<8x1x128xf32>
    %reduce_sum3A = arith.constant dense<0.000000e+00> : vector<1x128xf32>
    %reduce_sum3A_3 = vector.multi_reduction <add>, %get3A_2, %reduce_sum3A [0] : vector<8x1x128xf32> to vector<1x128xf32>
    %slice3A = vector.extract_strided_slice %reduce_sum3A_3 {offsets = [0, 0], sizes = [1, 1], strides = [1, 1]} : vector<1x128xf32> to vector<1x1xf32>
    %squeeze3A = vector.extract %slice3A[0, 0] : f32 from vector<1x1xf32>
    %mul3A = arith.constant 2.98023224E-7 : f32
    %mul3A_4 = arith.mulf %squeeze3A, %mul3A : f32
    %reshape3A = vector.broadcast %mul3A_4 : f32 to vector<1x1xf32>
    %swap3A = arith.constant 0 : index
    %swap3A_5 = arith.constant 0 : index
    %swap3A_6 = vector.load %arg2[%swap3A, %swap3A_5] : memref<1x1xf32, #tpu.memory_space<vmem>>, vector<1x1xf32>
    tpu.vector_store %arg2[%swap3A, %swap3A_5], %reshape3A {strides = array<i32>} : memref<1x1xf32, #tpu.memory_space<vmem>>, vector<1x1xf32>,
    %get3A_7 = arith.constant 0 : index
    %get3A_8 = arith.constant 0 : index
    %get3A_9 = vector.load %arg0[%get3A_7, %get3A_8] : memref<2x1024xf32, #tpu.memory_space<vmem>>, vector<2x1024xf32>
    %reduce_sum3A_10 = arith.constant dense<0.000000e+00> : vector<1024xf32>
    %reduce_sum3A_11 = vector.multi_reduction <add>, %get3A_9, %reduce_sum3A_10 [0] : vector<2x1024xf32> to vector<1024xf32>
    %reshape3A_12 = vector.shape_cast %reduce_sum3A_11 : vector<1024xf32> to vector<1x1024xf32>
    %mul3A_13 = arith.constant 6.10351563E-5 : f32
    %mul3A_14 = vector.broadcast %mul3A_13 : f32 to vector<1x1024xf32>
    %mul3A_15 = arith.mulf %reshape3A_12, %mul3A_14 : vector<1x1024xf32>
    %add3A = arith.constant 1.000000e-10 : f32
    %add3A_16 = vector.broadcast %add3A : f32 to vector<1x1024xf32>
    %add3A_17 = arith.addf %mul3A_15, %add3A_16 : vector<1x1024xf32>
    %log3A = math.log %add3A_17 : vector<1x1024xf32>
    %mul3A_18 = arith.mulf %mul3A_15, %log3A : vector<1x1024xf32>
    %reduce_sum3A_19 = vector.shape_cast %mul3A_18 : vector<1x1024xf32> to vector<1x1x1024xf32>
    %reduce_sum3A_20 = arith.constant dense<0.000000e+00> : vector<1xf32>
    %reduce_sum3A_21 = vector.multi_reduction <add>, %reduce_sum3A_19, %reduce_sum3A_20 [1, 2] : vector<1x1x1024xf32> to vector<1xf32>
    %reduce_sum3A_22 = vector.shape_cast %reduce_sum3A_21 : vector<1xf32> to vector<1x1x1xf32>
    %reduce_sum3A_23 = vector.extract %reduce_sum3A_22[0, 0, 0] : f32 from vector<1x1x1xf32>
    %neg3A = arith.constant 0.000000e+00 : f32
    %neg3A_24 = arith.subf %neg3A, %reduce_sum3A_23 : f32
    %exp3A = math.exp %neg3A_24 : f32
    %reshape3A_25 = vector.broadcast %exp3A : f32 to vector<1x1xf32>
    %swap3A_26 = arith.constant 0 : index
    %swap3A_27 = arith.constant 0 : index
    %swap3A_28 = vector.load %arg3[%swap3A_26, %swap3A_27] : memref<1x1xf32, #tpu.memory_space<vmem>>, vector<1x1xf32>
    tpu.vector_store %arg3[%swap3A_26, %swap3A_27], %reshape3A_25 {strides = array<i32>} : memref<1x1xf32, #tpu.memory_space<vmem>>, vector<1x1xf32>,
    return
  }
}

</mosaic_0001>

<sc_bundles>
// kernel: kernel.6.cloned.1.call-start
scs
__scs_entry_jumppad:
0x0: {  	(pc) =	sbr.rel $0x88, $3  }
0x1: {  	(tag) =	ssettag $0x0;
	lr =	simm.s32 $0x1  }
0x2: {  	[smem:$0x3F9F] =	sst lr;
	_ =	strace $0xD0000000  }
0x3: {  	_ = 	snop  }
0x4: {  	_ = 	snop  }
0x5: {  	_ = 	snop  }
0x6: {  	_ = 	snop  }
0x7: {  	_ = 	snop  }
__scs_overlays_trampoline_lowered:
0x8: {  	[smem:$0x3FAE] =	sst s0  }
0x9: {  	[smem:$0x3FAF] =	sst s1  }
0xa: {  	[smem:$0x3FB0] =	sst s2  }
0xb: {  	[smem:$0x3FB1] =	sst s3  }
0xc: {  	[smem:$0x3FB2] =	sst s4  }
0xd: {  	[smem:$0x3FB3] =	sst s5  }
0xe: {  	[smem:$0x3FB4] =	sst s6  }
0xf: {  	[smem:$0x3FB5] =	sst s7  }
0x10: {  	[smem:$0x3FB6] =	sst s8  }
0x11: {  	[smem:$0x3FB7] =	sst s9;
	s0 =	simm.s32 @!p0 $0x0  }
0x12: {  	s1 =	sld [smem:$0x3F9D];
	s0 =	simm.s32 @p0 $0x1  }
0x13: {  	[smem:$0x3FB8] =	sst s0;
	s0 =	simm.s32 @!p1 $0x0  }
0x14: {  	s2 =	sld [smem:$0x3F9C];
	s0 =	simm.s32 @p1 $0x1  }
0x15: {  	[smem:$0x3FB9] =	sst s0;
	s0 =	simm.s32 @!p2 $0x0  }
0x16: {  	s3 =	sld [smem:$0x3FDB];
	s0 =	simm.s32 @p2 $0x1  }
0x17: {  	s4 =	simm.s32 $0x1BF5;
	[smem:$0x3FBB] =	sst s0  }
0x18: {  	s0 =	sld [smem:$0x3F9E];
	_ =	swait.ge [sflag:s4], $0x0  }
0x19: {  	s7 =	sld [smem:$0x3F9F]  }
0x1a: {  	s8 =	sadd.s32 $0xFFFFE003, lr  }
0x1b: {  	s9 =	sadd.s32 $0xFFFFFEF7, lr;
	s5 =	simm.s32 $0xFFFFFFFF;
	p2 =	slt.u32 s8, $0xFFFFF086  }
0x1c: {  	p1 =	slt.u32 s9, $0xF7A;
	s5 =	simm.s32 @!p2 $0x0  }
0x1d: {  	s5 =	simm.s32 @p1 $0x1;
	p0 =	seq.s32 s7, s2  }
0x1e: {  	s7 =	smul.u32 @!p0 $0xF7A, s2;
	p2 =	seq.s32 @!p0 s5, $0x0  }
0x1f: {  	s9 =	smul.u32 $0xF7A, s1;
	s8 =	simm.s32 @!p0 $0x1BF5;
	p2 =	por !p2, p0  }
0x20: {  	[sflag:s8] =	ssyncset.s32 @!p0 $0xFFFFF086;
	s6 =	sadd.s32 @!p0 s3, s7;
	s7 =	simm.s32 @!p0 $0x108  }
0x21: {  	s3 =	sadd.s32 s3, s9;
	s6 =	sadd.s32 @!p0 $0x88, s6;
	s7 =	simm.s32 @p2 $0x1082  }
0x22: {  	[simem:s7], [sflag:s8] =	dma.local @!p0 [hbm:s6], $0xF7A  }
0x23: {  	s9 =	sor.u32 $0xD0000000, s2;
	s6 =	simm.s32 $0x108;
	_ =	swait.ge @!p0 [sflag:s8], $0x0  }
0x24: {  	s3 =	sadd.s32 $0x88, s3;
	s6 =	simm.s32 @!p1 $0x1082;
	[sflag:s4] =	ssyncset.s32 $0xFFFFF086  }
0x25: {  	[simem:s6], [sflag:s4] =	dma.local [hbm:s3], $0xF7A  }
0x26: {  	[smem:$0x3F9F] =	sst s1;
	(tag) =	ssettag s2;
	_ =	strace s9  }
0x27: {  	s1 =	sld [smem:$0x3FAF]  }
0x28: {  	s2 =	sld [smem:$0x3FB0]  }
0x29: {  	s4 =	sld [smem:$0x3FB2]  }
0x2a: {  	p0 =	seq.s32 s5, $0x0;
	s5 =	sld [smem:$0x3FB3]  }
0x2b: {  	s6 =	sld [smem:$0x3FB4]  }
0x2c: {  	s7 =	sld [smem:$0x3FB5]  }
0x2d: {  	s3 =	simm.s32 $0x108;
	s8 =	sld [smem:$0x3FB6]  }
0x2e: {  	s3 =	simm.s32 @!p0 $0x1082;
	s9 =	sld [smem:$0x3FB7]  }
0x2f: {  	lr =	sadd.s32 s0, s3;
	s0 =	sld [smem:$0x3FAE]  }
0x30: {  	s3 =	sld [smem:$0x3FB1]  }
0x31: {  	[smem:$0x3FBA] =	sst s10  }
0x32: {  	s10 =	sld [smem:$0x3FB8];
	_ =	sdelay $0x3  }
0x33: {  	p0 =	seq.s32 s10, $0x1;
	s10 =	sld [smem:$0x3FBA];
	_ =	sdelay $0x3  }
0x34: {  	[smem:$0x3FBA] =	sst s10  }
0x35: {  	s10 =	sld [smem:$0x3FB9];
	_ =	sdelay $0x3  }
0x36: {  	p1 =	seq.s32 s10, $0x1;
	s10 =	sld [smem:$0x3FBA];
	_ =	sdelay $0x3  }
0x37: {  	[smem:$0x3FBA] =	sst s10  }
0x38: {  	s10 =	sld [smem:$0x3FBB]  }
0x39: {  	_ = 	snop;
	(pc) =	sbr.ind lr, $3  }
0x3a: {  	_ = 	snop  }
0x3b: {  	_ = 	snop  }
0x3c: {  	p2 =	seq.s32 s10, $0x1;
	s10 =	sld [smem:$0x3FBA]  }
0x3d: {  	_ =	shalt  }
0x3e: {  	_ =	shalt  }
0x3f: {  	_ =	shalt  }
0x40: {  	_ =	shalt  }
0x41: {  	_ =	shalt  }
0x42: {  	_ =	shalt  }
0x43: {  	_ =	shalt  }
0x44: {  	_ =	shalt  }
0x45: {  	_ =	shalt  }
0x46: {  	_ =	shalt  }
0x47: {  	_ =	shalt  }
0x48: {  	_ =	shalt  }
0x49: {  	_ =	shalt  }
0x4a: {  	_ =	shalt  }
0x4b: {  	_ =	shalt  }
0x4c: {  	_ =	shalt  }
0x4d: {  	_ =	shalt  }
0x4e: {  	_ =	shalt  }
0x4f: {  	_ =	shalt  }
0x50: {  	_ =	shalt  }
0x51: {  	_ =	shalt  }
0x52: {  	_ =	shalt  }
0x53: {  	_ =	shalt  }
0x54: {  	_ =	shalt  }
0x55: {  	_ =	shalt  }
0x56: {  	_ =	shalt  }
0x57: {  	_ =	shalt  }
0x58: {  	_ =	shalt  }
0x59: {  	_ =	shalt  }
0x5a: {  	_ =	shalt  }
0x5b: {  	_ =	shalt  }
0x5c: {  	_ =	shalt  }
0x5d: {  	_ =	shalt  }
0x5e: {  	_ =	shalt  }
0x5f: {  	_ =	shalt  }
0x60: {  	_ =	shalt  }
0x61: {  	_ =	shalt  }
0x62: {  	_ =	shalt  }
0x63: {  	_ =	shalt  }
0x64: {  	_ =	shalt  }
0x65: {  	_ =	shalt  }
0x66: {  	_ =	shalt  }
0x67: {  	_ =	shalt  }
0x68: {  	_ =	shalt  }
0x69: {  	_ =	shalt  }
0x6a: {  	_ =	shalt  }
0x6b: {  	_ =	shalt  }
0x6c: {  	_ =	shalt  }
0x6d: {  	_ =	shalt  }
0x6e: {  	_ =	shalt  }
0x6f: {  	_ =	shalt  }
0x70: {  	_ =	shalt  }
0x71: {  	_ =	shalt  }
0x72: {  	_ =	shalt  }
0x73: {  	_ =	shalt  }
0x74: {  	_ =	shalt  }
0x75: {  	_ =	shalt  }
0x76: {  	_ =	shalt  }
0x77: {  	_ =	shalt  }
0x78: {  	_ =	shalt  }
0x79: {  	_ =	shalt  }
0x7a: {  	_ =	shalt  }
0x7b: {  	_ =	shalt  }
0x7c: {  	_ =	shalt  }
0x7d: {  	_ =	shalt  }
0x7e: {  	_ =	shalt  }
0x7f: {  	_ =	shalt  }
0x80: {  	_ =	shalt  }
0x81: {  	_ =	shalt  }
0x82: {  	_ =	shalt  }
0x83: {  	_ =	shalt  }
0x84: {  	_ =	shalt  }
0x85: {  	_ =	shalt  }
0x86: {  	_ =	shalt  }
0x87: {  	_ =	shalt  }
.Lfunc_end0:
.L_simem_size_0:
called_computation_lowered:
.L_overlay_start_0:
0x88: {  	s2 =	sld [smem:$0x3FD9]  }
0x89: {  	s3 =	sld [smem:$0x3FFE];
	_ =	sdelay $0x1  }
0x8a: {  	s1 =	srdreg.scid  }
0x8b: {  	s0 =	sand.u32 $0x1, s1  }
0x8c: {  	s14 =	sshll.u32 s0, $0xA;
	s2 =	sadd.s32 s3, s2  }
0x8d: {  	s2 =	sadd.s32 s2, s14  }
0x8e: {  	[smem:$0x3FC6] =	sst s2  }
0x8f: {  	_ = 	snop  }
0x90: {  	s2 =	sld [smem:$0x3FD0];
	_ =	sdelay $0x2  }
0x91: {  	s15 =	simm.s32 $0xA;
	s4 =	simm.s32 $0x10  }
0x92: {  	[smem:s4], [sflag:s15] =	dma.local [hbm:s2], $0x1  }
0x93: {  	_ =	swait.eq [sflag:s15], $0x1  }
0x94: {  	[sflag:s15] =	ssyncset.done $0x0  }
0x95: {  	[sflag:s15] =	ssyncadd.s32 $0xFFFFFFFF  }
0x96: {  	s16 =	sld [smem:$0x14];
	(tm) =	ssettm $0x1  }
0x97: {  	s17 =	sld [smem:$0x3FFB];
	_ =	sdelay $0x3  }
0x98: {  	_ =	strace s17  }
0x99: {  	s3 =	sld [smem:$0x3FFC];
	_ =	sdelay $0x3  }
0x9a: {  	_ =	strace s3  }
0x9b: {  	s3 =	sld [smem:$0x3FFD];
	_ =	sdelay $0x3  }
0x9c: {  	_ =	strace s3  }
0x9d: {  	_ =	strace $0x8FFFFFFF  }
0x9e: {  	s18 =	sld [smem:$0x3FDB];
	_ =	sdelay $0x1  }
0x9f: {  	s19 =	simm.s32 $_scs_section_size  }
0xa0: {  	s5 =	simm.s32 $_size__tile_overlayer_lowered;
	s6 =	simm.s32 $_tile_overlayer_lowered  }
0xa1: {  	s22 =	simm.s32 $0x1BFF;
	s21 =	sshll.u32 s6, $0x1;
	s3 =	sadd.s32 s19, s18  }
0xa2: {  	s7 =	simm.s32 $0x0;
	s20 =	sshll.u32 s5, $0x1;
	s5 =	sadd.s32 s21, s3  }
0xa3: {  	[timem:s7], [sflag:s22] =	dma.local [hbm:s5], s20  }
0xa4: {  	_ =	swait.ge [sflag:s22], s20  }
0xa5: {  	s4 =	ssub.s32 $0x0, s20;
	[sflag:s22] =	ssyncset.done $0x0  }
0xa6: {  	[sflag:s22] =	ssyncadd.s32 s4;
	_ =	sdelay $0x1  }
0xa7: {  	s23 =	simm.s32 $0x1B8B  }
0xa8: {  	_ =	swait.ge [sflag:s23], $0x1  }
0xa9: {  	[sflag:s23] =	ssyncset.done $0x0  }
0xaa: {  	s25 =	simm.s32 $0x1B8E;
	s24 =	sld [smem:$0x3FFE];
	[sflag:s23] =	ssyncadd.s32 $0xFFFFFFFF  }
0xab: {  	s26 =	simm.s32 $execute0_lowered;
	[smem:$0x3FD2] =	sst s25  }
0xac: {  	s5 =	sshll.u32 s26, $0x1;
	_ =	strace $0x80000046;
	[dreg:$0x1] =	wrdreg $0xFFFFFFFF  }
0xad: {  	s28 =	simm.s32 $_size_execute0_lowered;
	s3 =	sadd.s32 s3, s5;
	[dreg:$0x0] =	wrdreg $0x0  }
0xae: {  	s5 =	sshll.u32 s28, $0x1;
	[dreg:$0x2] =	wrdreg s3  }
0xaf: {  	[dreg:$0x3] =	wrdreg s5  }
0xb0: {  	[dreg:$0x4] =	wrdreg $0xC0  }
0xb1: {  	_ =	task [dreg:s7], $0x5FFFF  }
0xb2: {  	[dreg:$0x1] =	wrdreg $0xFFFFFFFF  }
0xb3: {  	[dreg:$0x0] =	wrdreg $0x60  }
0xb4: {  	[dreg:$0x2] =	wrdreg s16  }
0xb5: {  	[dreg:$0x3] =	wrdreg s24  }
0xb6: {  	[dreg:$0x4] =	wrdreg $0x4000  }
0xb7: {  	[dreg:$0x5] =	wrdreg $0x9  }
0xb8: {  	_ =	task.clear_ibuf [dreg:s7], $0x6FFFF;
	_ =	strace $0x90000046  }
0xb9: {  	s29 =	simm.s32 $0x9;
	_ =	strace $0x80000048  }
0xba: {  	_ =	swait.ge [sflag:s29], $0x1  }
0xbb: {  	[sflag:s29] =	ssyncadd.s32 $0xFFFFFFFF  }
0xbc: {  	_ =	strace $0x90000048  }
0xbd: {  	_ =	sfence  }
0xbe: {  	s30 =	sld [smem:$0x0];
	_ =	sdelay $0x2  }
0xbf: {  	s31 =	sshll.u32 s1, $0xD;
	s1 =	sshrl.u32 s1, $0x2  }
0xc0: {  	s3 =	sand.u32 $0x4000, s31;
	s1 =	sadd.s32 s1, s30  }
0xc1: {  	s0 =	sor.u32 s3, s0;
	s1 =	sshll.u32 s1, $0x11  }
0xc2: {  	s0 =	sor.u32 s1, s0  }
0xc3: {  	s0 =	sadd.s32 $0x8F2B, s0  }
0xc4: {  	[sflag:s0] =	ssyncadd.remote.s32 $0x1  }
0xc5: {  	_ =	sfence.sel $0xFFFF  }
0xc6: {  	[dreg:$0x0] =	wrdreg $0xFFFFFFFF;
	(pc) =	sbr.abs _section_cstart, $3  }
0xc7: {  	[dreg:$0x1] =	wrdreg $0xFFFFFFFF  }
0xc8: {  	_ =	task.clear_ibuf [dreg:s7], $0x2FFFF;
	_ =	strace $0x9FFFFFFF  }
0xc9: {  	(tm) =	ssettm $0x7FFFFFFF  }
tec
execute0_lowered:
.L_overlay_start_1:
0x0: {  	(tag) =	ssettag $0x1  }
0x1: {  	s3 =	srdreg.scid  }
0x2: {  	s7 =	sand.u32 $0x1, s3  }
0x3: {  	s5 =	rddreg [dreg:$0x1];
	s9 =	ssub.s32 $0x2, s7  }
0x4: {  	s6 =	sadd.s32 $0xE00, s5;
	s8 =	sshll.u32 s7, $0x7;
	s29 =	sshrl.u32 s9, $0x1  }
0x5: {  	s3 =	sadd.s32 $0x1000, s5;
	s5 =	sadd.s32 s8, s5;
	s8 =	ssub.s32 s9, s29  }
0x6: {  	s4 =	rddreg [dreg:$0x0];
	s31 =	smax.u32 s8, $0x1  }
0x7: {  	s1 =	rddreg [dreg:$0x2];
	s12 =	sadd.s32 $0xFFFFFFFF, s31  }
0x8: {  	s0 =	rddreg [dreg:$0x3];
	p2 =	sne.s32 s12, $0x0  }
.Ltmp0:
0x9: {  	s2 =	simm.s32 $0x0;
	s10 =	stileid.u32;
	(pc) =	sbr.rel @!p2 .LBB2_3-.Ltmp0, $4  }
0xa: {  	p1 =	por $0x0, $0x0;
	[smem:$0x7FF] =	sst s2;
	s7 =	sshll.u32 s7, $0x6  }
0xb: {  	s30 =	sshll.u32 s10, $0x7;
	p0 =	sne.s32 s10, $0x0;
	s4 =	sadd.s32 s4, s7  }
0xc: {  	_ =	strace $0x80000047;
	s7 =	simm.s32 $0x1;
	s9 =	sadd.s32 s30, s4  }
0xd: {  	s4 =	sadd.s32 $0x1200, s5;
	s5 =	sshrl.u32 @!p0 s1, $0x3;
	s8 =	simm.s32 $0x200  }
0xe: {  	s11 =	simm.s32 @!p0 $0x1C01;
	s10 =	simm.s32 @!p0 $0x1  }
0xf: {  	[spmem:s5], [sflag:s11] =	dma.local @!p0 [hbm:s6], $0x80  }
0x10: {  	_ =	swait.ge @!p0 [sflag:s10], $0x80  }
0x11: {  	[sflag:s10] =	ssyncset.done @!p0 $0x0  }
0x12: {  	[sflag:s10] =	ssyncadd.s32 @!p0 $0xFFFFFF80  }
0x13: {  	[bflag:$0x0] =	sbarrier.arrive $0xFFFF  }
0x14: {  	[tilespmem:s2], [sflag:$0x1] =	stream.linear.gather [hbm4b:s9+s2], $0x200, $0x38;
	[tilespmem:$0x440] =	vst v63  }
0x15: {  	_ =	swait.ge [sflag:s7], $0x200  }
0x16: {  	[sflag:s7] =	ssyncset.done $0x0  }
0x17: {  	[sflag:s7] =	ssyncadd.s32 $0xFFFFFE00  }
0x18: {  	[tilespmem:s8], [sflag:$0x1] =	stream.linear.gather [hbm4b:s3+s2], $0x200, $0x38;
	[tilespmem:$0x440] =	vst v63  }
0x19: {  	_ =	swait.ge [sflag:s7], $0x200  }
0x1a: {  	[sflag:s7] =	ssyncset.done $0x0  }
0x1b: {  	[sflag:s7] =	ssyncadd.s32 $0xFFFFFE00  }
0x1c: {  	[spmem:s1] =	stream.indirect.scatter.add.f32 [tilespmem:s8], [sflag:$0x1], $0x1, s2, s8, $0xb8;
	[tilespmem:$0x440] =	vst v63  }
0x1d: {  	s12 =	sadd.s32 $0xFFFFFFFF, s12;
	_ =	swait.ge [sflag:s7], $0x200  }
0x1e: {  	p2 =	sne.s32 s12, $0x0;
	[sflag:s7] =	ssyncset.done $0x0  }
.Ltmp1:
0x1f: {  	[sflag:s7] =	ssyncadd.s32 $0xFFFFFE00;
	(pc) =	sbr.rel @!p2 .LBB2_3-.Ltmp1, $4  }
0x20: {  	[bflag:$0x0] =	sbarrier.arrive $0xFFFF  }
0x21: {  	[hbm:s4], [sflag:s11] =	dma.local @!p0 [spmem:s5], $0x80  }
0x22: {  	_ =	swait.ge @!p0 [sflag:s10], $0x80  }
0x23: {  	p1 =	por $0x1, $0x1;
	[sflag:s10] =	ssyncset.done @!p0 $0x0  }
.LBB2_2:
0x24: {  	[sflag:s10] =	ssyncadd.s32 @!p0 $0xFFFFFF80  }
0x25: {  	[spmem:s5], [sflag:s11] =	dma.local @!p0 [hbm:s6], $0x80  }
0x26: {  	s12 =	sadd.s32 $0xFFFFFFFF, s12;
	_ =	swait.ge @!p0 [sflag:s10], $0x80  }
0x27: {  	p2 =	sne.s32 s12, $0x0;
	[sflag:s10] =	ssyncset.done @!p0 $0x0  }
0x28: {  	[sflag:s10] =	ssyncadd.s32 @!p0 $0xFFFFFF80  }
0x29: {  	[bflag:$0x0] =	sbarrier.arrive $0xFFFF  }
0x2a: {  	[tilespmem:s2], [sflag:$0x1] =	stream.linear.gather [hbm4b:s9+s2], $0x200, $0x38;
	[tilespmem:$0x440] =	vst v63  }
0x2b: {  	_ =	swait.ge [sflag:s7], $0x200  }
0x2c: {  	[sflag:s7] =	ssyncset.done $0x0  }
0x2d: {  	[sflag:s7] =	ssyncadd.s32 $0xFFFFFE00  }
0x2e: {  	[tilespmem:s8], [sflag:$0x1] =	stream.linear.gather [hbm4b:s3+s2], $0x200, $0x38;
	[tilespmem:$0x440] =	vst v63  }
0x2f: {  	_ =	swait.ge [sflag:s7], $0x200  }
0x30: {  	[sflag:s7] =	ssyncset.done $0x0  }
0x31: {  	[sflag:s7] =	ssyncadd.s32 $0xFFFFFE00  }
0x32: {  	[spmem:s1] =	stream.indirect.scatter.add.f32 [tilespmem:s8], [sflag:$0x1], $0x1, s2, s8, $0xb8;
	[tilespmem:$0x440] =	vst v63  }
0x33: {  	_ =	swait.ge [sflag:s7], $0x200  }
0x34: {  	[sflag:s7] =	ssyncset.done $0x0  }
.Ltmp2:
0x35: {  	[sflag:s7] =	ssyncadd.s32 $0xFFFFFE00;
	(pc) =	sbr.rel @p2 .LBB2_2-.Ltmp2, $4  }
0x36: {  	[bflag:$0x0] =	sbarrier.arrive $0xFFFF  }
0x37: {  	[hbm:s4], [sflag:s11] =	dma.local @!p0 [spmem:s5], $0x80  }
0x38: {  	_ =	swait.ge @!p0 [sflag:s10], $0x80  }
0x39: {  	[sflag:s10] =	ssyncset.done @!p0 $0x0  }
.LBB2_3:
0x3a: {  	p1 =	por p0, !p1  }
0x3b: {  	s11 =	simm.s32 @!p0 $0x1C01;
	s12 =	simm.s32 @!p0 $0x1;
	[sflag:s10] =	ssyncadd.s32 @!p1 $0xFFFFFF80  }
0x3c: {  	[spmem:s5], [sflag:s11] =	dma.local @!p0 [hbm:s6], $0x80  }
0x3d: {  	_ =	swait.ge @!p0 [sflag:s12], $0x80  }
0x3e: {  	[sflag:s12] =	ssyncset.done @!p0 $0x0  }
0x3f: {  	[sflag:s12] =	ssyncadd.s32 @!p0 $0xFFFFFF80  }
0x40: {  	[bflag:$0x0] =	sbarrier.arrive $0xFFFF  }
0x41: {  	[tilespmem:s2], [sflag:$0x1] =	stream.linear.gather [hbm4b:s9+s2], $0x200, $0x38;
	[tilespmem:$0x440] =	vst v63  }
0x42: {  	_ =	swait.ge [sflag:s7], $0x200  }
0x43: {  	[sflag:s7] =	ssyncset.done $0x0  }
0x44: {  	[sflag:s7] =	ssyncadd.s32 $0xFFFFFE00  }
0x45: {  	[tilespmem:s8], [sflag:$0x1] =	stream.linear.gather [hbm4b:s3+s2], $0x200, $0x38;
	[tilespmem:$0x440] =	vst v63  }
0x46: {  	_ =	swait.ge [sflag:s7], $0x200  }
0x47: {  	[sflag:s7] =	ssyncset.done $0x0  }
0x48: {  	[sflag:s7] =	ssyncadd.s32 $0xFFFFFE00  }
0x49: {  	[spmem:s1] =	stream.indirect.scatter.add.f32 [tilespmem:s8], [sflag:$0x1], $0x1, s2, s8, $0xb8;
	[tilespmem:$0x440] =	vst v63  }
0x4a: {  	_ =	swait.ge [sflag:s7], $0x200  }
0x4b: {  	[sflag:s7] =	ssyncset.done $0x0  }
0x4c: {  	[sflag:s7] =	ssyncadd.s32 $0xFFFFFE00  }
0x4d: {  	[bflag:$0x0] =	sbarrier.arrive $0xFFFF  }
0x4e: {  	[hbm:s4], [sflag:s11] =	dma.local @!p0 [spmem:s5], $0x80  }
0x4f: {  	_ =	swait.ge @!p0 [sflag:s12], $0x80  }
0x50: {  	[sflag:s12] =	ssyncset.done @!p0 $0x0  }
0x51: {  	[sflag:s12] =	ssyncadd.s32 @!p0 $0xFFFFFF80  }
0x52: {  	_ =	sfence.sel $0x180000  }
0x53: {  	[bflag:$0x0] =	sbarrier.arrive $0xFFFF  }
0x54: {  	_ =	strace $0x90000047  }
0x55: {  	s0 =	sadd.s32 @!p0 $0x100000, s0;
	[bflag:$0x2] =	sbarrier.arrive $0xFFFF  }
0x56: {  	[sflag:s0] =	ssyncadd.tile.s32 @!p0 $0x1;
	_ =	shalt  }
.Lfunc_end2:
_tile_overlayer_lowered:
.L_overlay_start_2:
0x57: {  	(tag) =	ssettag $0x2  }
0x58: {  	s0 =	rddreg [dreg:$0x0];
	s2 =	stileid.u32  }
0x59: {  	s1 =	rddreg [dreg:$0x1];
	p0 =	sne.s32 s2, $0x0  }
0x5a: {  	s3 =	rddreg [dreg:$0x2];
	[bflag:$0x3] =	sbarrier.arrive $0xFFFF;
	s2 =	simm.s32 @!p0 $0x1C01  }
0x5b: {  	[timem:s3], [sflag:s2] =	dma.local @!p0 [hbm:s0], s1  }
0x5c: {  	s0 =	simm.s32 @!p0 $0x1  }
0x5d: {  	_ =	swait.ge @!p0 [sflag:s0], s1  }
0x5e: {  	s1 =	ssub.s32 @!p0 $0x0, s1;
	[sflag:s0] =	ssyncset.done @!p0 $0x0  }
0x5f: {  	[sflag:s0] =	ssyncadd.s32 @!p0 s1  }
0x60: {  	[bflag:$0x3] =	sbarrier.arrive $0xFFFF  }
0x61: {  	_ =	shalt  }

</sc_bundles>
